<compile_context>
chip_gen: v7x
topology: tpu7x:2x2x1
jax: 0.10.2.dev20260603
libtpu: 0.0.44.dev20260713+nightly
codegen_flags: <defaults>
</compile_context>

<pallas_src>
import functools

import jax
import jax.numpy as jnp
from jax import lax
from jax.experimental import pallas as pl
from jax.experimental.pallas import tpu as pltpu
from jax.experimental.pallas import tpu_sc as plsc


def _argmin_body(x_ref, w_ref, idx_ref):
    G = x_ref.shape[0]
    Wm = w_ref[...]
    E, D = Wm.shape
    w2 = jnp.sum(Wm * Wm, axis=1, keepdims=True)
    Wm2 = Wm + Wm
    eidx = lax.broadcasted_iota(jnp.int32, (E, 1), 0).astype(jnp.float32)
    for g in range(G):
        X = x_ref[g]
        a = jnp.sum(X * X, axis=0, keepdims=True)
        m2 = lax.dot_general(Wm2, X, (((1,), (0,)), ((), ())),
                             preferred_element_type=jnp.float32)
        d = (w2 + a) - m2
        dmin = jnp.min(d, axis=0, keepdims=True)
        cand = jnp.where(d == dmin, eidx, jnp.float32(jnp.inf))
        idx_ref[g, 0] = jnp.min(cand, axis=0).astype(jnp.int32)


def _argmin_indices(x, embeddings, group=4):
    B, C, N = x.shape
    E, D = embeddings.shape
    G = group
    return pl.pallas_call(
        _argmin_body,
        grid=(B // G,),
        in_specs=[
            pl.BlockSpec((G, C, N), lambda b: (b, 0, 0)),
            pl.BlockSpec((E, D), lambda b: (0, 0)),
        ],
        out_specs=pl.BlockSpec((G, 1, N), lambda b: (b, 0, 0)),
        out_shape=jax.ShapeDtypeStruct((B, 1, N), jnp.int32),
    )(x, embeddings)


def _sc_gather(table, idx_flat):
    E, D = table.shape
    (NB,) = idx_flat.shape
    info = plsc.get_sparse_core_info()
    NC, NS = info.num_cores, info.num_subcores
    NW = NC * NS
    b_per_w = NB // NW
    mesh = plsc.VectorSubcoreMesh(core_axis_name="c", subcore_axis_name="s")

    @functools.partial(
        pl.kernel,
        mesh=mesh,
        out_type=jax.ShapeDtypeStruct((NB, D), jnp.float32),
        scratch_types=[
            pltpu.VMEM((b_per_w,), jnp.int32),
            pltpu.VMEM((b_per_w, D), jnp.float32),
            pltpu.SemaphoreType.DMA,
        ],
        compiler_params=pltpu.CompilerParams(use_tc_tiling_on_sc=False),
    )
    def gather_k(table_hbm, idx_hbm, out_hbm, idx_v, rows_v, sem):
        wid = lax.axis_index("s") * NC + lax.axis_index("c")
        base = wid * b_per_w
        pltpu.sync_copy(idx_hbm.at[pl.ds(base, b_per_w)], idx_v)
        pltpu.async_copy(table_hbm.at[idx_v], rows_v, sem).wait()
        pltpu.sync_copy(rows_v, out_hbm.at[pl.ds(base, b_per_w)])

    return gather_k(table, idx_flat)


def kernel(input, embeddings):
    B, C, H, W = input.shape
    E, D = embeddings.shape
    N = H * W
    x = input.reshape(B, C, N)
    idx = _argmin_indices(x, embeddings)
    rows = _sc_gather(embeddings, idx.reshape(B * N))
    return rows.reshape(B, H, W, D).transpose(0, 3, 1, 2)

# --- scband reference (transcript-rebuilt; emitter-appended) ---
"""Pipeline reference for scband-vector-quantizer-42167988912138 (READ-ONLY COPY).

The authoritative reference and input builder live on the scoring server;
editing this copy changes nothing except your own understanding.
"""

import jax, jax.numpy as jnp
import numpy as np

NUM_EMBEDDINGS = 1024
EMBEDDING_DIM = 64

def setup_inputs(seed: int = 0) -> dict:
    key = jax.random.key(seed)
    k1, k2 = jax.random.split(key)
    x = jax.random.normal(k1, (16, EMBEDDING_DIM, 32, 32), dtype=jnp.float32)
    scale = 1.0 / NUM_EMBEDDINGS
    W = jax.random.uniform(k2, (NUM_EMBEDDINGS, EMBEDDING_DIM), minval=-scale, maxval=scale, dtype=jnp.float32)
    return {"input": x, "embeddings": W}

def reference(input, embeddings):
    # proposal_distribution
    x = jnp.transpose(input, (0, 2, 3, 1))  # [B, H, W, C]
    input_shape = x.shape
    flat = x.reshape(-1, input_shape[-1])  # [N, C]
    distances = (flat ** 2).sum(axis=1, keepdims=True)
    distances = distances + (embeddings ** 2).sum(axis=1)
    distances = distances - 2.0 * (flat @ embeddings.T)
    proposal = jnp.argmin(distances, axis=-1).reshape(input_shape[:-1])  # [B, H, W]
    # embedding lookup (gather)
    quantized = jnp.take(embeddings, proposal, axis=0)  # [B, H, W, C]
    quantized = jnp.transpose(quantized, (0, 3, 1, 2))  # [B, C, H, W]
    return quantized

if __name__ == "__main__":
    import jax
    _d = setup_inputs()
    print(jax.jit(kernel)(*tuple(_d.values())))

</pallas_src>

<mosaic_0001>
#map = affine_map<(d0, d1) -> (0, 0)>
#map1 = affine_map<(d0, d1) -> (0)>
module attributes {stable_mosaic.version = 14 : i64} {
  func.func @gather_k(%arg0: i32, %arg1: i32, %arg2: memref<1024x64xf32, #tpu.memory_space<hbm>>, %arg3: memref<16384xi32, #tpu.memory_space<hbm>>, %arg4: memref<16384x64xf32, #tpu.memory_space<hbm>>, %arg5: memref<512xi32, #tpu.memory_space<vmem>>, %arg6: memref<512x64xf32, #tpu.memory_space<vmem>>, %arg7: memref<!tpu.dma_semaphore, #tpu.memory_space<semaphore_mem>>) attributes {dimension_semantics = [#tpu.dimension_semantics<core_parallel>, #tpu.dimension_semantics<subcore_parallel>], iteration_bounds = array<i64: 2, 16>, scalar_prefetch = 0 : i64, scratch_operands = 3 : i64, tpu.core_type = #tpu.core_type<sc_vector_subcore>, window_params = [{transform_indices = #map}, {transform_indices = #map1}, {transform_indices = #map}]} {
    %mul3A = arith.constant 2 : i32
    %mul3A_0 = arith.muli %arg1, %mul3A : i32
    %add3A = arith.addi %mul3A_0, %arg0 : i32
    %mul3A_1 = arith.constant 512 : i32
    %mul3A_2 = arith.muli %add3A, %mul3A_1 : i32
    "tpu.region"() ({
      %run_scoped3A = tpu.sem_alloc : memref<!tpu.dma_semaphore, #tpu.memory_space<semaphore_mem>>
      %dma_start3A_7 = tpu.memref_slice %arg3[%mul3A_2] : memref<16384xi32, #tpu.memory_space<hbm>> -> memref<512xi32, #tpu.memory_space<hbm>>
      %dma_start3A_8 = tpu.memref_slice %arg3[%mul3A_2] : memref<16384xi32, #tpu.memory_space<hbm>> -> memref<512xi32, #tpu.memory_space<hbm>>
      tpu.enqueue_dma source(%dma_start3A_8 : memref<512xi32, #tpu.memory_space<hbm>>) target(%arg5 : memref<512xi32, #tpu.memory_space<vmem>>) target_semaphore(%run_scoped3A : memref<!tpu.dma_semaphore, #tpu.memory_space<semaphore_mem>>)
      %dma_wait3A_9 = tpu.memref_slice %arg3[%mul3A_2] : memref<16384xi32, #tpu.memory_space<hbm>> -> memref<512xi32, #tpu.memory_space<hbm>>
      %dma_wait3A_10 = tpu.memref_slice %arg3[%mul3A_2] : memref<16384xi32, #tpu.memory_space<hbm>> -> memref<512xi32, #tpu.memory_space<hbm>>
      tpu.wait_dma2 semaphore(%run_scoped3A : memref<!tpu.dma_semaphore, #tpu.memory_space<semaphore_mem>>) src(%dma_wait3A_10 : memref<512xi32, #tpu.memory_space<hbm>>) dst(%arg5 : memref<512xi32, #tpu.memory_space<vmem>>)
      tpu.yield
    }) : () -> ()
    %dma_start3A = arith.constant 0 : i32
    %dma_start3A_3 = arith.constant 0 : i32
    %dma_start3A_4 = tpu.memref_slice %arg2[%dma_start3A, %dma_start3A_3] : memref<1024x64xf32, #tpu.memory_space<hbm>> -> memref<1024x64xf32, #tpu.memory_space<hbm>>
    tpu.enqueue_indirect_dma source(%dma_start3A_4 : memref<1024x64xf32, #tpu.memory_space<hbm>>) target(%arg6 : memref<512x64xf32, #tpu.memory_space<vmem>>) offsets(%arg5 : memref<512xi32, #tpu.memory_space<vmem>>) semaphore(%arg7 : memref<!tpu.dma_semaphore, #tpu.memory_space<semaphore_mem>>)
    %dma_wait3A = arith.constant 0 : i32
    %dma_wait3A_5 = arith.constant 0 : i32
    %dma_wait3A_6 = tpu.memref_slice %arg2[%dma_wait3A, %dma_wait3A_5] : memref<1024x64xf32, #tpu.memory_space<hbm>> -> memref<1024x64xf32, #tpu.memory_space<hbm>>
    tpu.wait_indirect_dma semaphore(%arg7 : memref<!tpu.dma_semaphore, #tpu.memory_space<semaphore_mem>>) src(%dma_wait3A_6 : memref<1024x64xf32, #tpu.memory_space<hbm>>) dst(%arg6 : memref<512x64xf32, #tpu.memory_space<vmem>>)
    "tpu.region"() ({
      %run_scoped3A = tpu.sem_alloc : memref<!tpu.dma_semaphore, #tpu.memory_space<semaphore_mem>>
      %dma_start3A_7 = arith.constant 0 : i32
      %dma_start3A_8 = tpu.memref_slice %arg4[%mul3A_2, %dma_start3A_7] : memref<16384x64xf32, #tpu.memory_space<hbm>> -> memref<512x64xf32, #tpu.memory_space<hbm>>
      %dma_start3A_9 = arith.constant 0 : i32
      %dma_start3A_10 = tpu.memref_slice %arg4[%mul3A_2, %dma_start3A_9] : memref<16384x64xf32, #tpu.memory_space<hbm>> -> memref<512x64xf32, #tpu.memory_space<hbm>>
      tpu.enqueue_dma source(%arg6 : memref<512x64xf32, #tpu.memory_space<vmem>>) target(%dma_start3A_10 : memref<512x64xf32, #tpu.memory_space<hbm>>) target_semaphore(%run_scoped3A : memref<!tpu.dma_semaphore, #tpu.memory_space<semaphore_mem>>)
      %dma_wait3A_11 = arith.constant 0 : i32
      %dma_wait3A_12 = tpu.memref_slice %arg4[%mul3A_2, %dma_wait3A_11] : memref<16384x64xf32, #tpu.memory_space<hbm>> -> memref<512x64xf32, #tpu.memory_space<hbm>>
      %dma_wait3A_13 = arith.constant 0 : i32
      %dma_wait3A_14 = tpu.memref_slice %arg4[%mul3A_2, %dma_wait3A_13] : memref<16384x64xf32, #tpu.memory_space<hbm>> -> memref<512x64xf32, #tpu.memory_space<hbm>>
      tpu.wait_dma2 semaphore(%run_scoped3A : memref<!tpu.dma_semaphore, #tpu.memory_space<semaphore_mem>>) src(%arg6 : memref<512x64xf32, #tpu.memory_space<vmem>>) dst(%dma_wait3A_14 : memref<512x64xf32, #tpu.memory_space<hbm>>)
      tpu.yield
    }) : () -> ()
    return
  }
}

module attributes {stable_mosaic.version = 14 : i64} {
  func.func @_argmin_body(%arg0: i32, %arg1: memref<4x64x1024xf32, #tpu.memory_space<vmem>>, %arg2: memref<1024x64xf32, #tpu.memory_space<vmem>>, %arg3: memref<4x1x1024xi32, #tpu.memory_space<vmem>>) attributes {dimension_semantics = [#tpu.dimension_semantics<arbitrary>], iteration_bounds = array<i64: 4>, scalar_prefetch = 0 : i64, scratch_operands = 0 : i64, tpu.core_type = #tpu.core_type<tc>, window_params = [{transform_indices = @transform_0, window_bounds = array<i64: 4, 64, 1024>}, {pipeline_mode = #tpu.pipeline_mode<synchronous>, transform_indices = @transform_1, window_bounds = array<i64: 1024, 64>}, {transform_indices = @transform_2, window_bounds = array<i64: 4, 1, 1024>}]} {
    %get3A = arith.constant 0 : index
    %get3A_0 = arith.constant 0 : index
    %get3A_1 = vector.load %arg2[%get3A, %get3A_0] : memref<1024x64xf32, #tpu.memory_space<vmem>>, vector<1024x64xf32>
    %mul3A = arith.mulf %get3A_1, %get3A_1 : vector<1024x64xf32>
    %reduce_sum3A = arith.constant dense<0.000000e+00> : vector<1024xf32>
    %reduce_sum3A_2 = vector.multi_reduction <add>, %mul3A, %reduce_sum3A [1] : vector<1024x64xf32> to vector<1024xf32>
    %broadcast_in_dim3A = vector.shape_cast %reduce_sum3A_2 : vector<1024xf32> to vector<1024x1xf32>
    %add3A = arith.addf %get3A_1, %get3A_1 : vector<1024x64xf32>
    %iota3A = tpu.iota {dimensions = array<i32: 0>} : vector<1024x1xi32>
    %convert_element_type3A = arith.sitofp %iota3A : vector<1024x1xi32> to vector<1024x1xf32>
    %get3A_3 = arith.constant 0 : index
    %get3A_4 = arith.constant 0 : index
    %get3A_5 = arith.constant 0 : index
    %get3A_6 = vector.load %arg1[%get3A_3, %get3A_4, %get3A_5] : memref<4x64x1024xf32, #tpu.memory_space<vmem>>, vector<1x64x1024xf32>
    %get3A_7 = vector.shape_cast %get3A_6 : vector<1x64x1024xf32> to vector<64x1024xf32>
    %mul3A_8 = arith.mulf %get3A_7, %get3A_7 : vector<64x1024xf32>
    %reduce_sum3A_9 = arith.constant dense<0.000000e+00> : vector<1024xf32>
    %reduce_sum3A_10 = vector.multi_reduction <add>, %mul3A_8, %reduce_sum3A_9 [0] : vector<64x1024xf32> to vector<1024xf32>
    %broadcast_in_dim3A_11 = vector.shape_cast %reduce_sum3A_10 : vector<1024xf32> to vector<1x1024xf32>
    %dot_general3A = arith.constant dense<0.000000e+00> : vector<1024x1024xf32>
    %dot_general3A_12 = tpu.matmul %add3A, %get3A_7, %dot_general3A {dimension_numbers = #tpu.dot_dimension_numbers<[1], [0], [0], [1], [0, 0, 1, 1], [], []>, transpose_lhs_hint = false} : vector<1024x64xf32>, vector<64x1024xf32>, vector<1024x1024xf32> -> vector<1024x1024xf32>
    %add3A_13 = vector.broadcast %broadcast_in_dim3A : vector<1024x1xf32> to vector<1024x1024xf32>
    %add3A_14 = vector.broadcast %broadcast_in_dim3A_11 : vector<1x1024xf32> to vector<1024x1024xf32>
    %add3A_15 = arith.addf %add3A_13, %add3A_14 : vector<1024x1024xf32>
    %sub3A = arith.subf %add3A_15, %dot_general3A_12 : vector<1024x1024xf32>
    %reduce_min3A = arith.constant dense<0x7F800000> : vector<1024xf32>
    %reduce_min3A_16 = vector.multi_reduction <minimumf>, %sub3A, %reduce_min3A [0] : vector<1024x1024xf32> to vector<1024xf32>
    %broadcast_in_dim3A_17 = vector.shape_cast %reduce_min3A_16 : vector<1024xf32> to vector<1x1024xf32>
    %eq3A = vector.broadcast %broadcast_in_dim3A_17 : vector<1x1024xf32> to vector<1024x1024xf32>
    %eq3A_18 = arith.cmpf oeq, %sub3A, %eq3A : vector<1024x1024xf32>
    %jit3A = arith.constant 0x7F800000 : f32
    %broadcast_in_dim3A_19 = vector.shape_cast %convert_element_type3A : vector<1024x1xf32> to vector<1024x1xf32>
    %broadcast_in_dim3A_20 = vector.broadcast %broadcast_in_dim3A_19 : vector<1024x1xf32> to vector<1024x1024xf32>
    %broadcast_in_dim3A_21 = vector.broadcast %jit3A : f32 to vector<1024x1024xf32>
    %select_n3A = arith.select %eq3A_18, %broadcast_in_dim3A_20, %broadcast_in_dim3A_21 : vector<1024x1024xi1>, vector<1024x1024xf32>
    %reduce_min3A_22 = arith.constant dense<0x7F800000> : vector<1024xf32>
    %reduce_min3A_23 = vector.multi_reduction <minimumf>, %select_n3A, %reduce_min3A_22 [0] : vector<1024x1024xf32> to vector<1024xf32>
    %convert_element_type3A_24 = arith.fptosi %reduce_min3A_23 : vector<1024xf32> to vector<1024xi32>
    %swap3A = arith.constant 0 : index
    %swap3A_25 = arith.constant 0 : index
    %swap3A_26 = arith.constant 0 : index
    %swap3A_27 = vector.load %arg3[%swap3A, %swap3A_25, %swap3A_26] : memref<4x1x1024xi32, #tpu.memory_space<vmem>>, vector<1x1x1024xi32>
    %swap3A_28 = vector.shape_cast %swap3A_27 : vector<1x1x1024xi32> to vector<1024xi32>
    %swap3A_29 = vector.shape_cast %convert_element_type3A_24 : vector<1024xi32> to vector<1x1x1024xi32>
    tpu.vector_store %arg3[%swap3A, %swap3A_25, %swap3A_26], %swap3A_29 {strides = array<i32>} : memref<4x1x1024xi32, #tpu.memory_space<vmem>>, vector<1x1x1024xi32>,
    %get3A_30 = arith.constant 1 : index
    %get3A_31 = arith.constant 0 : index
    %get3A_32 = arith.constant 0 : index
    %get3A_33 = vector.load %arg1[%get3A_30, %get3A_31, %get3A_32] : memref<4x64x1024xf32, #tpu.memory_space<vmem>>, vector<1x64x1024xf32>
    %get3A_34 = vector.shape_cast %get3A_33 : vector<1x64x1024xf32> to vector<64x1024xf32>
    %mul3A_35 = arith.mulf %get3A_34, %get3A_34 : vector<64x1024xf32>
    %reduce_sum3A_36 = arith.constant dense<0.000000e+00> : vector<1024xf32>
    %reduce_sum3A_37 = vector.multi_reduction <add>, %mul3A_35, %reduce_sum3A_36 [0] : vector<64x1024xf32> to vector<1024xf32>
    %broadcast_in_dim3A_38 = vector.shape_cast %reduce_sum3A_37 : vector<1024xf32> to vector<1x1024xf32>
    %dot_general3A_39 = arith.constant dense<0.000000e+00> : vector<1024x1024xf32>
    %dot_general3A_40 = tpu.matmul %add3A, %get3A_34, %dot_general3A_39 {dimension_numbers = #tpu.dot_dimension_numbers<[1], [0], [0], [1], [0, 0, 1, 1], [], []>, transpose_lhs_hint = false} : vector<1024x64xf32>, vector<64x1024xf32>, vector<1024x1024xf32> -> vector<1024x1024xf32>
    %add3A_41 = vector.broadcast %broadcast_in_dim3A : vector<1024x1xf32> to vector<1024x1024xf32>
    %add3A_42 = vector.broadcast %broadcast_in_dim3A_38 : vector<1x1024xf32> to vector<1024x1024xf32>
    %add3A_43 = arith.addf %add3A_41, %add3A_42 : vector<1024x1024xf32>
    %sub3A_44 = arith.subf %add3A_43, %dot_general3A_40 : vector<1024x1024xf32>
    %reduce_min3A_45 = arith.constant dense<0x7F800000> : vector<1024xf32>
    %reduce_min3A_46 = vector.multi_reduction <minimumf>, %sub3A_44, %reduce_min3A_45 [0] : vector<1024x1024xf32> to vector<1024xf32>
    %broadcast_in_dim3A_47 = vector.shape_cast %reduce_min3A_46 : vector<1024xf32> to vector<1x1024xf32>
    %eq3A_48 = vector.broadcast %broadcast_in_dim3A_47 : vector<1x1024xf32> to vector<1024x1024xf32>
    %eq3A_49 = arith.cmpf oeq, %sub3A_44, %eq3A_48 : vector<1024x1024xf32>
    %jit3A_50 = arith.constant 0x7F800000 : f32
    %broadcast_in_dim3A_51 = vector.shape_cast %convert_element_type3A : vector<1024x1xf32> to vector<1024x1xf32>
    %broadcast_in_dim3A_52 = vector.broadcast %broadcast_in_dim3A_51 : vector<1024x1xf32> to vector<1024x1024xf32>
    %broadcast_in_dim3A_53 = vector.broadcast %jit3A_50 : f32 to vector<1024x1024xf32>
    %select_n3A_54 = arith.select %eq3A_49, %broadcast_in_dim3A_52, %broadcast_in_dim3A_53 : vector<1024x1024xi1>, vector<1024x1024xf32>
    %reduce_min3A_55 = arith.constant dense<0x7F800000> : vector<1024xf32>
    %reduce_min3A_56 = vector.multi_reduction <minimumf>, %select_n3A_54, %reduce_min3A_55 [0] : vector<1024x1024xf32> to vector<1024xf32>
    %convert_element_type3A_57 = arith.fptosi %reduce_min3A_56 : vector<1024xf32> to vector<1024xi32>
    %swap3A_58 = arith.constant 1 : index
    %swap3A_59 = arith.constant 0 : index
    %swap3A_60 = arith.constant 0 : index
    %swap3A_61 = vector.load %arg3[%swap3A_58, %swap3A_59, %swap3A_60] : memref<4x1x1024xi32, #tpu.memory_space<vmem>>, vector<1x1x1024xi32>
    %swap3A_62 = vector.shape_cast %swap3A_61 : vector<1x1x1024xi32> to vector<1024xi32>
    %swap3A_63 = vector.shape_cast %convert_element_type3A_57 : vector<1024xi32> to vector<1x1x1024xi32>
    tpu.vector_store %arg3[%swap3A_58, %swap3A_59, %swap3A_60], %swap3A_63 {strides = array<i32>} : memref<4x1x1024xi32, #tpu.memory_space<vmem>>, vector<1x1x1024xi32>,
    %get3A_64 = arith.constant 2 : index
    %get3A_65 = arith.constant 0 : index
    %get3A_66 = arith.constant 0 : index
    %get3A_67 = vector.load %arg1[%get3A_64, %get3A_65, %get3A_66] : memref<4x64x1024xf32, #tpu.memory_space<vmem>>, vector<1x64x1024xf32>
    %get3A_68 = vector.shape_cast %get3A_67 : vector<1x64x1024xf32> to vector<64x1024xf32>
    %mul3A_69 = arith.mulf %get3A_68, %get3A_68 : vector<64x1024xf32>
    %reduce_sum3A_70 = arith.constant dense<0.000000e+00> : vector<1024xf32>
    %reduce_sum3A_71 = vector.multi_reduction <add>, %mul3A_69, %reduce_sum3A_70 [0] : vector<64x1024xf32> to vector<1024xf32>
    %broadcast_in_dim3A_72 = vector.shape_cast %reduce_sum3A_71 : vector<1024xf32> to vector<1x1024xf32>
    %dot_general3A_73 = arith.constant dense<0.000000e+00> : vector<1024x1024xf32>
    %dot_general3A_74 = tpu.matmul %add3A, %get3A_68, %dot_general3A_73 {dimension_numbers = #tpu.dot_dimension_numbers<[1], [0], [0], [1], [0, 0, 1, 1], [], []>, transpose_lhs_hint = false} : vector<1024x64xf32>, vector<64x1024xf32>, vector<1024x1024xf32> -> vector<1024x1024xf32>
    %add3A_75 = vector.broadcast %broadcast_in_dim3A : vector<1024x1xf32> to vector<1024x1024xf32>
    %add3A_76 = vector.broadcast %broadcast_in_dim3A_72 : vector<1x1024xf32> to vector<1024x1024xf32>
    %add3A_77 = arith.addf %add3A_75, %add3A_76 : vector<1024x1024xf32>
    %sub3A_78 = arith.subf %add3A_77, %dot_general3A_74 : vector<1024x1024xf32>
    %reduce_min3A_79 = arith.constant dense<0x7F800000> : vector<1024xf32>
    %reduce_min3A_80 = vector.multi_reduction <minimumf>, %sub3A_78, %reduce_min3A_79 [0] : vector<1024x1024xf32> to vector<1024xf32>
    %broadcast_in_dim3A_81 = vector.shape_cast %reduce_min3A_80 : vector<1024xf32> to vector<1x1024xf32>
    %eq3A_82 = vector.broadcast %broadcast_in_dim3A_81 : vector<1x1024xf32> to vector<1024x1024xf32>
    %eq3A_83 = arith.cmpf oeq, %sub3A_78, %eq3A_82 : vector<1024x1024xf32>
    %jit3A_84 = arith.constant 0x7F800000 : f32
    %broadcast_in_dim3A_85 = vector.shape_cast %convert_element_type3A : vector<1024x1xf32> to vector<1024x1xf32>
    %broadcast_in_dim3A_86 = vector.broadcast %broadcast_in_dim3A_85 : vector<1024x1xf32> to vector<1024x1024xf32>
    %broadcast_in_dim3A_87 = vector.broadcast %jit3A_84 : f32 to vector<1024x1024xf32>
    %select_n3A_88 = arith.select %eq3A_83, %broadcast_in_dim3A_86, %broadcast_in_dim3A_87 : vector<1024x1024xi1>, vector<1024x1024xf32>
    %reduce_min3A_89 = arith.constant dense<0x7F800000> : vector<1024xf32>
    %reduce_min3A_90 = vector.multi_reduction <minimumf>, %select_n3A_88, %reduce_min3A_89 [0] : vector<1024x1024xf32> to vector<1024xf32>
    %convert_element_type3A_91 = arith.fptosi %reduce_min3A_90 : vector<1024xf32> to vector<1024xi32>
    %swap3A_92 = arith.constant 2 : index
    %swap3A_93 = arith.constant 0 : index
    %swap3A_94 = arith.constant 0 : index
    %swap3A_95 = vector.load %arg3[%swap3A_92, %swap3A_93, %swap3A_94] : memref<4x1x1024xi32, #tpu.memory_space<vmem>>, vector<1x1x1024xi32>
    %swap3A_96 = vector.shape_cast %swap3A_95 : vector<1x1x1024xi32> to vector<1024xi32>
    %swap3A_97 = vector.shape_cast %convert_element_type3A_91 : vector<1024xi32> to vector<1x1x1024xi32>
    tpu.vector_store %arg3[%swap3A_92, %swap3A_93, %swap3A_94], %swap3A_97 {strides = array<i32>} : memref<4x1x1024xi32, #tpu.memory_space<vmem>>, vector<1x1x1024xi32>,
    %get3A_98 = arith.constant 3 : index
    %get3A_99 = arith.constant 0 : index
    %get3A_100 = arith.constant 0 : index
    %get3A_101 = vector.load %arg1[%get3A_98, %get3A_99, %get3A_100] : memref<4x64x1024xf32, #tpu.memory_space<vmem>>, vector<1x64x1024xf32>
    %get3A_102 = vector.shape_cast %get3A_101 : vector<1x64x1024xf32> to vector<64x1024xf32>
    %mul3A_103 = arith.mulf %get3A_102, %get3A_102 : vector<64x1024xf32>
    %reduce_sum3A_104 = arith.constant dense<0.000000e+00> : vector<1024xf32>
    %reduce_sum3A_105 = vector.multi_reduction <add>, %mul3A_103, %reduce_sum3A_104 [0] : vector<64x1024xf32> to vector<1024xf32>
    %broadcast_in_dim3A_106 = vector.shape_cast %reduce_sum3A_105 : vector<1024xf32> to vector<1x1024xf32>
    %dot_general3A_107 = arith.constant dense<0.000000e+00> : vector<1024x1024xf32>
    %dot_general3A_108 = tpu.matmul %add3A, %get3A_102, %dot_general3A_107 {dimension_numbers = #tpu.dot_dimension_numbers<[1], [0], [0], [1], [0, 0, 1, 1], [], []>, transpose_lhs_hint = false} : vector<1024x64xf32>, vector<64x1024xf32>, vector<1024x1024xf32> -> vector<1024x1024xf32>
    %add3A_109 = vector.broadcast %broadcast_in_dim3A : vector<1024x1xf32> to vector<1024x1024xf32>
    %add3A_110 = vector.broadcast %broadcast_in_dim3A_106 : vector<1x1024xf32> to vector<1024x1024xf32>
    %add3A_111 = arith.addf %add3A_109, %add3A_110 : vector<1024x1024xf32>
    %sub3A_112 = arith.subf %add3A_111, %dot_general3A_108 : vector<1024x1024xf32>
    %reduce_min3A_113 = arith.constant dense<0x7F800000> : vector<1024xf32>
    %reduce_min3A_114 = vector.multi_reduction <minimumf>, %sub3A_112, %reduce_min3A_113 [0] : vector<1024x1024xf32> to vector<1024xf32>
    %broadcast_in_dim3A_115 = vector.shape_cast %reduce_min3A_114 : vector<1024xf32> to vector<1x1024xf32>
    %eq3A_116 = vector.broadcast %broadcast_in_dim3A_115 : vector<1x1024xf32> to vector<1024x1024xf32>
    %eq3A_117 = arith.cmpf oeq, %sub3A_112, %eq3A_116 : vector<1024x1024xf32>
    %jit3A_118 = arith.constant 0x7F800000 : f32
    %broadcast_in_dim3A_119 = vector.shape_cast %convert_element_type3A : vector<1024x1xf32> to vector<1024x1xf32>
    %broadcast_in_dim3A_120 = vector.broadcast %broadcast_in_dim3A_119 : vector<1024x1xf32> to vector<1024x1024xf32>
    %broadcast_in_dim3A_121 = vector.broadcast %jit3A_118 : f32 to vector<1024x1024xf32>
    %select_n3A_122 = arith.select %eq3A_117, %broadcast_in_dim3A_120, %broadcast_in_dim3A_121 : vector<1024x1024xi1>, vector<1024x1024xf32>
    %reduce_min3A_123 = arith.constant dense<0x7F800000> : vector<1024xf32>
    %reduce_min3A_124 = vector.multi_reduction <minimumf>, %select_n3A_122, %reduce_min3A_123 [0] : vector<1024x1024xf32> to vector<1024xf32>
    %convert_element_type3A_125 = arith.fptosi %reduce_min3A_124 : vector<1024xf32> to vector<1024xi32>
    %swap3A_126 = arith.constant 3 : index
    %swap3A_127 = arith.constant 0 : index
    %swap3A_128 = arith.constant 0 : index
    %swap3A_129 = vector.load %arg3[%swap3A_126, %swap3A_127, %swap3A_128] : memref<4x1x1024xi32, #tpu.memory_space<vmem>>, vector<1x1x1024xi32>
    %swap3A_130 = vector.shape_cast %swap3A_129 : vector<1x1x1024xi32> to vector<1024xi32>
    %swap3A_131 = vector.shape_cast %convert_element_type3A_125 : vector<1024xi32> to vector<1x1x1024xi32>
    tpu.vector_store %arg3[%swap3A_126, %swap3A_127, %swap3A_128], %swap3A_131 {strides = array<i32>} : memref<4x1x1024xi32, #tpu.memory_space<vmem>>, vector<1x1x1024xi32>,
    return
  }
  func.func @transform_0(%arg0: i32) -> (i32, i32, i32) {
    %c0_i32 = arith.constant 0 : i32
    %c0_i32_0 = arith.constant 0 : i32
    %c0_i32_1 = arith.constant 0 : i32
    return %arg0, %c0_i32, %c0_i32_0 : i32, i32, i32
  }
  func.func @transform_1(%arg0: i32) -> (i32, i32) {
    %c0_i32 = arith.constant 0 : i32
    %c0_i32_0 = arith.constant 0 : i32
    %c0_i32_1 = arith.constant 0 : i32
    return %c0_i32, %c0_i32_0 : i32, i32
  }
  func.func @transform_2(%arg0: i32) -> (i32, i32, i32) {
    %c0_i32 = arith.constant 0 : i32
    %c0_i32_0 = arith.constant 0 : i32
    %c0_i32_1 = arith.constant 0 : i32
    return %arg0, %c0_i32, %c0_i32_0 : i32, i32, i32
  }
}

</mosaic_0001>

<sc_bundles>
// kernel: kernel.4.cloned.1.call-start
scs
__scs_entry_jumppad:
0x0: {  	(pc) =	sbr.rel $0x88, $3  }
0x1: {  	(tag) =	ssettag $0x0;
	lr =	simm.s32 $0x1  }
0x2: {  	[smem:$0x3F9F] =	sst lr;
	_ =	strace $0xD0000000  }
0x3: {  	_ = 	snop  }
0x4: {  	_ = 	snop  }
0x5: {  	_ = 	snop  }
0x6: {  	_ = 	snop  }
0x7: {  	_ = 	snop  }
__scs_overlays_trampoline_lowered:
0x8: {  	[smem:$0x3FAE] =	sst s0  }
0x9: {  	[smem:$0x3FAF] =	sst s1  }
0xa: {  	[smem:$0x3FB0] =	sst s2  }
0xb: {  	[smem:$0x3FB1] =	sst s3  }
0xc: {  	[smem:$0x3FB2] =	sst s4  }
0xd: {  	[smem:$0x3FB3] =	sst s5  }
0xe: {  	[smem:$0x3FB4] =	sst s6  }
0xf: {  	[smem:$0x3FB5] =	sst s7  }
0x10: {  	[smem:$0x3FB6] =	sst s8  }
0x11: {  	[smem:$0x3FB7] =	sst s9;
	s0 =	simm.s32 @!p0 $0x0  }
0x12: {  	s1 =	sld [smem:$0x3F9D];
	s0 =	simm.s32 @p0 $0x1  }
0x13: {  	[smem:$0x3FB8] =	sst s0;
	s0 =	simm.s32 @!p1 $0x0  }
0x14: {  	s2 =	sld [smem:$0x3F9C];
	s0 =	simm.s32 @p1 $0x1  }
0x15: {  	[smem:$0x3FB9] =	sst s0;
	s0 =	simm.s32 @!p2 $0x0  }
0x16: {  	s3 =	sld [smem:$0x3FDB];
	s0 =	simm.s32 @p2 $0x1  }
0x17: {  	s4 =	simm.s32 $0x1BF5;
	[smem:$0x3FBB] =	sst s0  }
0x18: {  	s0 =	sld [smem:$0x3F9E];
	_ =	swait.ge [sflag:s4], $0x0  }
0x19: {  	s7 =	sld [smem:$0x3F9F]  }
0x1a: {  	s8 =	sadd.s32 $0xFFFFE003, lr  }
0x1b: {  	s9 =	sadd.s32 $0xFFFFFEF7, lr;
	s5 =	simm.s32 $0xFFFFFFFF;
	p2 =	slt.u32 s8, $0xFFFFF086  }
0x1c: {  	p1 =	slt.u32 s9, $0xF7A;
	s5 =	simm.s32 @!p2 $0x0  }
0x1d: {  	s5 =	simm.s32 @p1 $0x1;
	p0 =	seq.s32 s7, s2  }
0x1e: {  	s7 =	smul.u32 @!p0 $0xF7A, s2;
	p2 =	seq.s32 @!p0 s5, $0x0  }
0x1f: {  	s9 =	smul.u32 $0xF7A, s1;
	s8 =	simm.s32 @!p0 $0x1BF5;
	p2 =	por !p2, p0  }
0x20: {  	[sflag:s8] =	ssyncset.s32 @!p0 $0xFFFFF086;
	s6 =	sadd.s32 @!p0 s3, s7;
	s7 =	simm.s32 @!p0 $0x108  }
0x21: {  	s3 =	sadd.s32 s3, s9;
	s6 =	sadd.s32 @!p0 $0x88, s6;
	s7 =	simm.s32 @p2 $0x1082  }
0x22: {  	[simem:s7], [sflag:s8] =	dma.local @!p0 [hbm:s6], $0xF7A  }
0x23: {  	s9 =	sor.u32 $0xD0000000, s2;
	s6 =	simm.s32 $0x108;
	_ =	swait.ge @!p0 [sflag:s8], $0x0  }
0x24: {  	s3 =	sadd.s32 $0x88, s3;
	s6 =	simm.s32 @!p1 $0x1082;
	[sflag:s4] =	ssyncset.s32 $0xFFFFF086  }
0x25: {  	[simem:s6], [sflag:s4] =	dma.local [hbm:s3], $0xF7A  }
0x26: {  	[smem:$0x3F9F] =	sst s1;
	(tag) =	ssettag s2;
	_ =	strace s9  }
0x27: {  	s1 =	sld [smem:$0x3FAF]  }
0x28: {  	s2 =	sld [smem:$0x3FB0]  }
0x29: {  	s4 =	sld [smem:$0x3FB2]  }
0x2a: {  	p0 =	seq.s32 s5, $0x0;
	s5 =	sld [smem:$0x3FB3]  }
0x2b: {  	s6 =	sld [smem:$0x3FB4]  }
0x2c: {  	s7 =	sld [smem:$0x3FB5]  }
0x2d: {  	s3 =	simm.s32 $0x108;
	s8 =	sld [smem:$0x3FB6]  }
0x2e: {  	s3 =	simm.s32 @!p0 $0x1082;
	s9 =	sld [smem:$0x3FB7]  }
0x2f: {  	lr =	sadd.s32 s0, s3;
	s0 =	sld [smem:$0x3FAE]  }
0x30: {  	s3 =	sld [smem:$0x3FB1]  }
0x31: {  	[smem:$0x3FBA] =	sst s10  }
0x32: {  	s10 =	sld [smem:$0x3FB8];
	_ =	sdelay $0x3  }
0x33: {  	p0 =	seq.s32 s10, $0x1;
	s10 =	sld [smem:$0x3FBA];
	_ =	sdelay $0x3  }
0x34: {  	[smem:$0x3FBA] =	sst s10  }
0x35: {  	s10 =	sld [smem:$0x3FB9];
	_ =	sdelay $0x3  }
0x36: {  	p1 =	seq.s32 s10, $0x1;
	s10 =	sld [smem:$0x3FBA];
	_ =	sdelay $0x3  }
0x37: {  	[smem:$0x3FBA] =	sst s10  }
0x38: {  	s10 =	sld [smem:$0x3FBB]  }
0x39: {  	_ = 	snop;
	(pc) =	sbr.ind lr, $3  }
0x3a: {  	_ = 	snop  }
0x3b: {  	_ = 	snop  }
0x3c: {  	p2 =	seq.s32 s10, $0x1;
	s10 =	sld [smem:$0x3FBA]  }
0x3d: {  	_ =	shalt  }
0x3e: {  	_ =	shalt  }
0x3f: {  	_ =	shalt  }
0x40: {  	_ =	shalt  }
0x41: {  	_ =	shalt  }
0x42: {  	_ =	shalt  }
0x43: {  	_ =	shalt  }
0x44: {  	_ =	shalt  }
0x45: {  	_ =	shalt  }
0x46: {  	_ =	shalt  }
0x47: {  	_ =	shalt  }
0x48: {  	_ =	shalt  }
0x49: {  	_ =	shalt  }
0x4a: {  	_ =	shalt  }
0x4b: {  	_ =	shalt  }
0x4c: {  	_ =	shalt  }
0x4d: {  	_ =	shalt  }
0x4e: {  	_ =	shalt  }
0x4f: {  	_ =	shalt  }
0x50: {  	_ =	shalt  }
0x51: {  	_ =	shalt  }
0x52: {  	_ =	shalt  }
0x53: {  	_ =	shalt  }
0x54: {  	_ =	shalt  }
0x55: {  	_ =	shalt  }
0x56: {  	_ =	shalt  }
0x57: {  	_ =	shalt  }
0x58: {  	_ =	shalt  }
0x59: {  	_ =	shalt  }
0x5a: {  	_ =	shalt  }
0x5b: {  	_ =	shalt  }
0x5c: {  	_ =	shalt  }
0x5d: {  	_ =	shalt  }
0x5e: {  	_ =	shalt  }
0x5f: {  	_ =	shalt  }
0x60: {  	_ =	shalt  }
0x61: {  	_ =	shalt  }
0x62: {  	_ =	shalt  }
0x63: {  	_ =	shalt  }
0x64: {  	_ =	shalt  }
0x65: {  	_ =	shalt  }
0x66: {  	_ =	shalt  }
0x67: {  	_ =	shalt  }
0x68: {  	_ =	shalt  }
0x69: {  	_ =	shalt  }
0x6a: {  	_ =	shalt  }
0x6b: {  	_ =	shalt  }
0x6c: {  	_ =	shalt  }
0x6d: {  	_ =	shalt  }
0x6e: {  	_ =	shalt  }
0x6f: {  	_ =	shalt  }
0x70: {  	_ =	shalt  }
0x71: {  	_ =	shalt  }
0x72: {  	_ =	shalt  }
0x73: {  	_ =	shalt  }
0x74: {  	_ =	shalt  }
0x75: {  	_ =	shalt  }
0x76: {  	_ =	shalt  }
0x77: {  	_ =	shalt  }
0x78: {  	_ =	shalt  }
0x79: {  	_ =	shalt  }
0x7a: {  	_ =	shalt  }
0x7b: {  	_ =	shalt  }
0x7c: {  	_ =	shalt  }
0x7d: {  	_ =	shalt  }
0x7e: {  	_ =	shalt  }
0x7f: {  	_ =	shalt  }
0x80: {  	_ =	shalt  }
0x81: {  	_ =	shalt  }
0x82: {  	_ =	shalt  }
0x83: {  	_ =	shalt  }
0x84: {  	_ =	shalt  }
0x85: {  	_ =	shalt  }
0x86: {  	_ =	shalt  }
0x87: {  	_ =	shalt  }
.Lfunc_end0:
.L_simem_size_0:
called_computation_lowered:
.L_overlay_start_0:
0x88: {  	s2 =	sld [smem:$0x3FD9]  }
0x89: {  	s3 =	sld [smem:$0x3FFE];
	_ =	sdelay $0x1  }
0x8a: {  	s1 =	srdreg.scid  }
0x8b: {  	s0 =	sand.u32 $0x1, s1  }
0x8c: {  	s17 =	sshll.u32 s0, $0xA;
	s2 =	sadd.s32 s3, s2  }
0x8d: {  	s2 =	sadd.s32 s2, s17  }
0x8e: {  	[smem:$0x3FC6] =	sst s2  }
0x8f: {  	_ = 	snop  }
0x90: {  	s2 =	sld [smem:$0x3FD0];
	(tm) =	ssettm $0x1  }
0x91: {  	s18 =	sld [smem:$0x3FFB];
	_ =	sdelay $0x3  }
0x92: {  	_ =	strace s18  }
0x93: {  	s3 =	sld [smem:$0x3FFC];
	_ =	sdelay $0x3  }
0x94: {  	_ =	strace s3  }
0x95: {  	s3 =	sld [smem:$0x3FFD];
	_ =	sdelay $0x3  }
0x96: {  	_ =	strace s3  }
0x97: {  	_ =	strace $0x8FFFFFFF  }
0x98: {  	s19 =	sld [smem:$0x3FDB];
	_ =	sdelay $0x1  }
0x99: {  	s4 =	simm.s32 $_scs_section_size  }
0x9a: {  	s5 =	simm.s32 $_size__tile_overlayer_lowered;
	s6 =	simm.s32 $_tile_overlayer_lowered  }
0x9b: {  	s22 =	simm.s32 $0x1BFF;
	s21 =	sshll.u32 s6, $0x1;
	s3 =	sadd.s32 s4, s19  }
0x9c: {  	s7 =	simm.s32 $0x0;
	s20 =	sshll.u32 s5, $0x1;
	s5 =	sadd.s32 s21, s3  }
0x9d: {  	[timem:s7], [sflag:s22] =	dma.local [hbm:s5], s20  }
0x9e: {  	_ =	swait.ge [sflag:s22], s20  }
0x9f: {  	s4 =	ssub.s32 $0x0, s20;
	[sflag:s22] =	ssyncset.done $0x0  }
0xa0: {  	[sflag:s22] =	ssyncadd.s32 s4;
	_ =	sdelay $0x1  }
0xa1: {  	s23 =	simm.s32 $0x1B8B  }
0xa2: {  	_ =	swait.ge [sflag:s23], $0x1  }
0xa3: {  	[sflag:s23] =	ssyncset.done $0x0  }
0xa4: {  	s25 =	simm.s32 $0x1B8E;
	s24 =	sld [smem:$0x3FFE];
	[sflag:s23] =	ssyncadd.s32 $0xFFFFFFFF  }
0xa5: {  	s26 =	simm.s32 $execute0_lowered;
	[smem:$0x3FD2] =	sst s25  }
0xa6: {  	s5 =	sshll.u32 s26, $0x1;
	_ =	strace $0x80000046;
	[dreg:$0x1] =	wrdreg $0xFFFFFFFF  }
0xa7: {  	s28 =	simm.s32 $_size_execute0_lowered;
	s3 =	sadd.s32 s3, s5;
	[dreg:$0x0] =	wrdreg $0x0  }
0xa8: {  	s5 =	sshll.u32 s28, $0x1;
	[dreg:$0x2] =	wrdreg s3  }
0xa9: {  	[dreg:$0x3] =	wrdreg s5  }
0xaa: {  	[dreg:$0x4] =	wrdreg $0xC0  }
0xab: {  	_ =	task [dreg:s7], $0x5FFFF  }
0xac: {  	[dreg:$0x1] =	wrdreg $0xFFFFFFFF  }
0xad: {  	[dreg:$0x0] =	wrdreg $0x60  }
0xae: {  	[dreg:$0x2] =	wrdreg s2  }
0xaf: {  	[dreg:$0x3] =	wrdreg s24  }
0xb0: {  	[dreg:$0x4] =	wrdreg $0x9  }
0xb1: {  	_ =	task.clear_ibuf [dreg:s7], $0x5FFFF;
	_ =	strace $0x90000046  }
0xb2: {  	s29 =	simm.s32 $0x9;
	_ =	strace $0x80000048  }
0xb3: {  	_ =	swait.ge [sflag:s29], $0x1  }
0xb4: {  	[sflag:s29] =	ssyncadd.s32 $0xFFFFFFFF  }
0xb5: {  	_ =	strace $0x90000048  }
0xb6: {  	_ =	sfence  }
0xb7: {  	s30 =	sld [smem:$0x0];
	_ =	sdelay $0x2  }
0xb8: {  	s31 =	sshll.u32 s1, $0xD;
	s1 =	sshrl.u32 s1, $0x2  }
0xb9: {  	s3 =	sand.u32 $0x4000, s31;
	s1 =	sadd.s32 s1, s30  }
0xba: {  	s0 =	sor.u32 s3, s0;
	s1 =	sshll.u32 s1, $0x11  }
0xbb: {  	s0 =	sor.u32 s1, s0  }
0xbc: {  	s0 =	sadd.s32 $0x8F2B, s0  }
0xbd: {  	[sflag:s0] =	ssyncadd.remote.s32 $0x1  }
0xbe: {  	_ =	sfence.sel $0xFFFF  }
0xbf: {  	[dreg:$0x0] =	wrdreg $0xFFFFFFFF;
	(pc) =	sbr.abs _section_cstart, $3  }
0xc0: {  	[dreg:$0x1] =	wrdreg $0xFFFFFFFF  }
0xc1: {  	_ =	task.clear_ibuf [dreg:s7], $0x2FFFF;
	_ =	strace $0x9FFFFFFF  }
0xc2: {  	(tm) =	ssettm $0x7FFFFFFF  }
0xc3: {  	_ =	shalt  }
tec
execute0_lowered:
.L_overlay_start_1:
0x0: {  	(tag) =	ssettag $0x1  }
0x1: {  	s1 =	srdreg.scid  }
0x2: {  	s0 =	stileid.u32;
	s6 =	sand.u32 $0x1, s1  }
0x3: {  	s2 =	rddreg [dreg:$0x0];
	s30 =	sshll.u32 s0, $0xA;
	s3 =	sshll.u32 s6, $0x9  }
0x4: {  	s8 =	rddreg [dreg:$0x1];
	s7 =	simm.s32 $0x1;
	s9 =	sor.u32 s3, s30  }
0x5: {  	s1 =	rddreg [dreg:$0x2];
	s3 =	simm.s32 $0x0;
	s4 =	sshrl.u32 s9, $0x3  }
0x6: {  	s10 =	ssub.s32 $0x2, s6;
	[smem:$0x7FF] =	sst s3;
	s4 =	sadd.s32 s4, s8  }
0x7: {  	_ =	strace $0x80000047;
	s5 =	sadd.s32 $0x600, s4;
	s4 =	simm.s32 $0x2  }
0x8: {  	[tilespmem:s3], [sflag:$0x2] =	stream.linear.gather [hbm4b:s5+s3], $0x200, $0x38;
	[tilespmem:$0x8200] =	vst v63  }
0x9: {  	s6 =	simm.s32 $0x200;
	s11 =	sshrl.u32 s10, $0x1;
	_ =	swait.ge [sflag:s4], $0x200  }
0xa: {  	s9 =	sshll.u32 s9, $0x3;
	s31 =	ssub.s32 s10, s11;
	[sflag:s4] =	ssyncset.done $0x0  }
0xb: {  	s8 =	sadd.s32 s9, s8;
	s9 =	smax.u32 s31, $0x1;
	[sflag:s4] =	ssyncadd.s32 $0xFFFFFE00  }
0xc: {  	[tilespmem:s6], [sflag:$0x1] =	stream.indirect.gather [hbm4b:s2+s6], $0x40, s3, s6, $0xb8;
	[tilespmem:$0x8200] =	vst v63  }
0xd: {  	p0 =	sne.s32 s9, $0x1;
	_ =	swait.ge [sflag:s7], $0x8000  }
.Ltmp0:
0xe: {  	[sflag:s7] =	ssyncset.done $0x0;
	(pc) =	sbr.rel @!p0 .LBB2_2-.Ltmp0, $4  }
0xf: {  	s8 =	sadd.s32 $0xE00, s8;
	[sflag:s7] =	ssyncadd.s32 $0xFFFF8000  }
0x10: {  	[hbm4b:s8+s3] =	stream.linear.scatter [tilespmem:s6], [sflag:$0x2], $0x8000, $0x38;
	[tilespmem:$0x8200] =	vst v63  }
0x11: {  	_ =	swait.ge [sflag:s4], $0x8000  }
0x12: {  	s9 =	sadd.s32 $0xFFFFFFFF, s9;
	[sflag:s4] =	ssyncset.done $0x0  }
.LBB2_1:
0x13: {  	p0 =	sne.s32 s9, $0x1;
	s9 =	sadd.s32 $0xFFFFFFFF, s9;
	[sflag:s4] =	ssyncadd.s32 $0xFFFF8000  }
0x14: {  	[tilespmem:s3], [sflag:$0x2] =	stream.linear.gather [hbm4b:s5+s3], $0x200, $0x38;
	[tilespmem:$0x8200] =	vst v63  }
0x15: {  	_ =	swait.ge [sflag:s4], $0x200  }
0x16: {  	[sflag:s4] =	ssyncset.done $0x0  }
0x17: {  	[sflag:s4] =	ssyncadd.s32 $0xFFFFFE00  }
0x18: {  	[tilespmem:s6], [sflag:$0x1] =	stream.indirect.gather [hbm4b:s2+s6], $0x40, s3, s6, $0xb8;
	[tilespmem:$0x8200] =	vst v63  }
0x19: {  	_ =	swait.ge [sflag:s7], $0x8000  }
.Ltmp1:
0x1a: {  	[sflag:s7] =	ssyncset.done $0x0;
	(pc) =	sbr.rel @p0 .LBB2_1-.Ltmp1, $4  }
0x1b: {  	[sflag:s7] =	ssyncadd.s32 $0xFFFF8000  }
0x1c: {  	[hbm4b:s8+s3] =	stream.linear.scatter [tilespmem:s6], [sflag:$0x2], $0x8000, $0x38;
	[tilespmem:$0x8200] =	vst v63  }
0x1d: {  	_ =	swait.ge [sflag:s4], $0x8000  }
0x1e: {  	[sflag:s4] =	ssyncset.done $0x0  }
.LBB2_2:
0x1f: {  	[sflag:s4] =	ssyncadd.s32 $0xFFFF8000  }
0x20: {  	_ =	sfence.sel $0x180000  }
0x21: {  	[bflag:$0x0] =	sbarrier.arrive $0xFFFF  }
0x22: {  	p0 =	sne.s32 s0, $0x0;
	_ =	strace $0x90000047  }
0x23: {  	s0 =	sadd.s32 @!p0 $0x100000, s1;
	[bflag:$0x2] =	sbarrier.arrive $0xFFFF  }
0x24: {  	[sflag:s0] =	ssyncadd.tile.s32 @!p0 $0x1;
	_ =	shalt  }
.Lfunc_end2:
_tile_overlayer_lowered:
.L_overlay_start_2:
0x25: {  	(tag) =	ssettag $0x2  }
0x26: {  	s0 =	rddreg [dreg:$0x0];
	s2 =	stileid.u32  }
0x27: {  	s1 =	rddreg [dreg:$0x1];
	p0 =	sne.s32 s2, $0x0  }
0x28: {  	s3 =	rddreg [dreg:$0x2];
	[bflag:$0x3] =	sbarrier.arrive $0xFFFF;
	s2 =	simm.s32 @!p0 $0x1C02  }
0x29: {  	[timem:s3], [sflag:s2] =	dma.local @!p0 [hbm:s0], s1  }
0x2a: {  	s0 =	simm.s32 @!p0 $0x2  }
0x2b: {  	_ =	swait.ge @!p0 [sflag:s0], s1  }
0x2c: {  	s1 =	ssub.s32 @!p0 $0x0, s1;
	[sflag:s0] =	ssyncset.done @!p0 $0x0  }
0x2d: {  	[sflag:s0] =	ssyncadd.s32 @!p0 s1  }
0x2e: {  	[bflag:$0x3] =	sbarrier.arrive $0xFFFF  }
0x2f: {  	_ =	shalt  }

</sc_bundles>
